<compile_context>
chip_gen: v7x
topology: tpu7x:2x2x1
jax: 0.10.2.dev20260603
libtpu: 0.0.44.dev20260713+nightly
codegen_flags: <defaults>
</compile_context>

<pallas_src>
import functools

import jax
import jax.numpy as jnp
from jax import lax
from jax.experimental import pallas as pl
from jax.experimental.pallas import tpu as pltpu
from jax.experimental.pallas import tpu_sc as plsc

NUM_TABLES = 3
B = 16384
D = 64
NC = 2
NS = 16
NW = NC * NS
BPW = B // NW
CHUNK = 128
NCH = BPW // CHUNK

_mesh = plsc.VectorSubcoreMesh(core_axis_name="c", subcore_axis_name="s")


@functools.partial(
    pl.kernel,
    mesh=_mesh,
    out_type=(
        jax.ShapeDtypeStruct((B, D), jnp.float32),
        jax.ShapeDtypeStruct((B, D), jnp.float32),
        jax.ShapeDtypeStruct((B, D), jnp.float32),
    ),
    scratch_types=[
        pltpu.VMEM((NUM_TABLES, BPW), jnp.int32),
        pltpu.VMEM((NUM_TABLES, BPW, D), jnp.float32),
        pltpu.SemaphoreType.DMA,
        pltpu.SemaphoreType.DMA,
    ],
    compiler_params=pltpu.CompilerParams(use_tc_tiling_on_sc=False),
)
def _embed3(xw, t0, t1, t2, o0, o1, o2, idx_v, rows_v, gsem, wsem):
    wid = lax.axis_index("s") * NC + lax.axis_index("c")
    base = wid * BPW
    pltpu.sync_copy(xw.at[wid], idx_v)
    tables = (t0, t1, t2)
    outs = (o0, o1, o2)
    gathers = []
    for t in range(NUM_TABLES):
        gathers.append(
            pltpu.async_copy(tables[t].at[idx_v.at[t]], rows_v.at[t], gsem))
    writes = []
    for t in range(NUM_TABLES):
        gathers[t].wait()
        writes.append(
            pltpu.async_copy(rows_v.at[t],
                             outs[t].at[pl.ds(base, BPW)], wsem))
    for w in writes:
        w.wait()


def kernel(x, stage_table, char1_table, char2_table):
    xw = x.reshape(NW, BPW, NUM_TABLES).transpose(0, 2, 1)
    return _embed3(xw, stage_table, char1_table, char2_table)

# --- scband reference (transcript-rebuilt; emitter-appended) ---
"""Pipeline reference for scband-metadata-embedding-32195074850838 (READ-ONLY COPY).

The authoritative reference and input builder live on the scoring server;
editing this copy changes nothing except your own understanding.
"""

import jax, jax.numpy as jnp
import numpy as np

NUM_STAGES = 64
NUM_CHARACTERS = 64
EMB_DIM = 64
BATCH = 16384


def setup_inputs(seed: int = 0) -> dict:
    key = jax.random.key(seed)
    k1, k2, k3, k4 = jax.random.split(key, 4)
    x = jax.random.randint(k1, (BATCH, 3), 0, min(NUM_STAGES, NUM_CHARACTERS), dtype=jnp.int32)
    stage_table = jax.random.normal(k2, (NUM_STAGES, EMB_DIM), dtype=jnp.float32)
    char1_table = jax.random.normal(k3, (NUM_CHARACTERS, EMB_DIM), dtype=jnp.float32)
    char2_table = jax.random.normal(k4, (NUM_CHARACTERS, EMB_DIM), dtype=jnp.float32)
    return {"x": x, "stage_table": stage_table, "char1_table": char1_table, "char2_table": char2_table}


def reference(x, stage_table, char1_table, char2_table):
    # x = x.long(); three separate embedding lookups on columns 0,1,2
    x = x.astype(jnp.int32)
    stage = jnp.take(stage_table, x[:, 0], axis=0)
    character1 = jnp.take(char1_table, x[:, 1], axis=0)
    character2 = jnp.take(char2_table, x[:, 2], axis=0)
    return (stage, character1, character2)

if __name__ == "__main__":
    import jax
    _d = setup_inputs()
    print(jax.jit(kernel)(*tuple(_d.values())))

</pallas_src>

<mosaic_0001>
#map = affine_map<(d0, d1) -> (0, 0, 0)>
#map1 = affine_map<(d0, d1) -> (0, 0)>
module attributes {stable_mosaic.version = 14 : i64} {
  func.func @_embed3(%arg0: i32, %arg1: i32, %arg2: memref<32x3x512xi32, #tpu.memory_space<hbm>>, %arg3: memref<64x64xf32, #tpu.memory_space<hbm>>, %arg4: memref<64x64xf32, #tpu.memory_space<hbm>>, %arg5: memref<64x64xf32, #tpu.memory_space<hbm>>, %arg6: memref<16384x64xf32, #tpu.memory_space<hbm>>, %arg7: memref<16384x64xf32, #tpu.memory_space<hbm>>, %arg8: memref<16384x64xf32, #tpu.memory_space<hbm>>, %arg9: memref<3x512xi32, #tpu.memory_space<vmem>>, %arg10: memref<3x512x64xf32, #tpu.memory_space<vmem>>, %arg11: memref<!tpu.dma_semaphore, #tpu.memory_space<semaphore_mem>>, %arg12: memref<!tpu.dma_semaphore, #tpu.memory_space<semaphore_mem>>) attributes {dimension_semantics = [#tpu.dimension_semantics<core_parallel>, #tpu.dimension_semantics<subcore_parallel>], iteration_bounds = array<i64: 2, 16>, scalar_prefetch = 0 : i64, scratch_operands = 4 : i64, tpu.core_type = #tpu.core_type<sc_vector_subcore>, window_params = [{transform_indices = #map}, {transform_indices = #map1}, {transform_indices = #map1}, {transform_indices = #map1}, {transform_indices = #map1}, {transform_indices = #map1}, {transform_indices = #map1}]} {
    %mul3A = arith.constant 2 : i32
    %mul3A_0 = arith.muli %arg1, %mul3A : i32
    %add3A = arith.addi %mul3A_0, %arg0 : i32
    %mul3A_1 = arith.constant 512 : i32
    %mul3A_2 = arith.muli %add3A, %mul3A_1 : i32
    "tpu.region"() ({
      %run_scoped3A = tpu.sem_alloc : memref<!tpu.dma_semaphore, #tpu.memory_space<semaphore_mem>>
      %dma_start3A_151 = arith.constant 0 : i32
      %dma_start3A_152 = arith.constant 0 : i32
      %dma_start3A_153 = tpu.memref_slice %arg2[%add3A, %dma_start3A_151, %dma_start3A_152] : memref<32x3x512xi32, #tpu.memory_space<hbm>> -> memref<1x3x512xi32, #tpu.memory_space<hbm>>
      %dma_start3A_154 = tpu.memref_squeeze %dma_start3A_153 : memref<1x3x512xi32, #tpu.memory_space<hbm>> -> memref<3x512xi32, #tpu.memory_space<hbm>>
      %dma_start3A_155 = arith.constant 0 : i32
      %dma_start3A_156 = arith.constant 0 : i32
      %dma_start3A_157 = tpu.memref_slice %arg2[%add3A, %dma_start3A_155, %dma_start3A_156] : memref<32x3x512xi32, #tpu.memory_space<hbm>> -> memref<1x3x512xi32, #tpu.memory_space<hbm>>
      %dma_start3A_158 = tpu.memref_squeeze %dma_start3A_157 : memref<1x3x512xi32, #tpu.memory_space<hbm>> -> memref<3x512xi32, #tpu.memory_space<hbm>>
      tpu.enqueue_dma source(%dma_start3A_158 : memref<3x512xi32, #tpu.memory_space<hbm>>) target(%arg9 : memref<3x512xi32, #tpu.memory_space<vmem>>) target_semaphore(%run_scoped3A : memref<!tpu.dma_semaphore, #tpu.memory_space<semaphore_mem>>)
      %dma_wait3A_159 = arith.constant 0 : i32
      %dma_wait3A_160 = arith.constant 0 : i32
      %dma_wait3A_161 = tpu.memref_slice %arg2[%add3A, %dma_wait3A_159, %dma_wait3A_160] : memref<32x3x512xi32, #tpu.memory_space<hbm>> -> memref<1x3x512xi32, #tpu.memory_space<hbm>>
      %dma_wait3A_162 = tpu.memref_squeeze %dma_wait3A_161 : memref<1x3x512xi32, #tpu.memory_space<hbm>> -> memref<3x512xi32, #tpu.memory_space<hbm>>
      %dma_wait3A_163 = arith.constant 0 : i32
      %dma_wait3A_164 = arith.constant 0 : i32
      %dma_wait3A_165 = tpu.memref_slice %arg2[%add3A, %dma_wait3A_163, %dma_wait3A_164] : memref<32x3x512xi32, #tpu.memory_space<hbm>> -> memref<1x3x512xi32, #tpu.memory_space<hbm>>
      %dma_wait3A_166 = tpu.memref_squeeze %dma_wait3A_165 : memref<1x3x512xi32, #tpu.memory_space<hbm>> -> memref<3x512xi32, #tpu.memory_space<hbm>>
      tpu.wait_dma2 semaphore(%run_scoped3A : memref<!tpu.dma_semaphore, #tpu.memory_space<semaphore_mem>>) src(%dma_wait3A_166 : memref<3x512xi32, #tpu.memory_space<hbm>>) dst(%arg9 : memref<3x512xi32, #tpu.memory_space<vmem>>)
      tpu.yield
    }) : () -> ()
    %dma_start3A = arith.constant 0 : i32
    %dma_start3A_3 = arith.constant 0 : i32
    %dma_start3A_4 = arith.constant 0 : i32
    %dma_start3A_5 = arith.constant 0 : i32
    %dma_start3A_6 = tpu.memref_slice %arg10[%dma_start3A_3, %dma_start3A_4, %dma_start3A_5] : memref<3x512x64xf32, #tpu.memory_space<vmem>> -> memref<1x512x64xf32, #tpu.memory_space<vmem>>
    %dma_start3A_7 = tpu.memref_squeeze %dma_start3A_6 : memref<1x512x64xf32, #tpu.memory_space<vmem>> -> memref<512x64xf32, #tpu.memory_space<vmem>>
    %dma_start3A_8 = arith.constant 0 : i32
    %dma_start3A_9 = tpu.memref_slice %arg9[%dma_start3A, %dma_start3A_8] : memref<3x512xi32, #tpu.memory_space<vmem>> -> memref<1x512xi32, #tpu.memory_space<vmem>>
    %dma_start3A_10 = tpu.memref_squeeze %dma_start3A_9 : memref<1x512xi32, #tpu.memory_space<vmem>> -> memref<512xi32, #tpu.memory_space<vmem>>
    %dma_start3A_11 = arith.constant 0 : i32
    %dma_start3A_12 = arith.constant 0 : i32
    %dma_start3A_13 = tpu.memref_slice %arg3[%dma_start3A_11, %dma_start3A_12] : memref<64x64xf32, #tpu.memory_space<hbm>> -> memref<64x64xf32, #tpu.memory_space<hbm>>
    tpu.enqueue_indirect_dma source(%dma_start3A_13 : memref<64x64xf32, #tpu.memory_space<hbm>>) target(%dma_start3A_7 : memref<512x64xf32, #tpu.memory_space<vmem>>) offsets(%dma_start3A_10 : memref<512xi32, #tpu.memory_space<vmem>>) semaphore(%arg11 : memref<!tpu.dma_semaphore, #tpu.memory_space<semaphore_mem>>)
    %dma_start3A_14 = arith.constant 1 : i32
    %dma_start3A_15 = arith.constant 1 : i32
    %dma_start3A_16 = arith.constant 0 : i32
    %dma_start3A_17 = arith.constant 0 : i32
    %dma_start3A_18 = tpu.memref_slice %arg10[%dma_start3A_15, %dma_start3A_16, %dma_start3A_17] : memref<3x512x64xf32, #tpu.memory_space<vmem>> -> memref<1x512x64xf32, #tpu.memory_space<vmem>>
    %dma_start3A_19 = tpu.memref_squeeze %dma_start3A_18 : memref<1x512x64xf32, #tpu.memory_space<vmem>> -> memref<512x64xf32, #tpu.memory_space<vmem>>
    %dma_start3A_20 = arith.constant 0 : i32
    %dma_start3A_21 = tpu.memref_slice %arg9[%dma_start3A_14, %dma_start3A_20] : memref<3x512xi32, #tpu.memory_space<vmem>> -> memref<1x512xi32, #tpu.memory_space<vmem>>
    %dma_start3A_22 = tpu.memref_squeeze %dma_start3A_21 : memref<1x512xi32, #tpu.memory_space<vmem>> -> memref<512xi32, #tpu.memory_space<vmem>>
    %dma_start3A_23 = arith.constant 0 : i32
    %dma_start3A_24 = arith.constant 0 : i32
    %dma_start3A_25 = tpu.memref_slice %arg4[%dma_start3A_23, %dma_start3A_24] : memref<64x64xf32, #tpu.memory_space<hbm>> -> memref<64x64xf32, #tpu.memory_space<hbm>>
    tpu.enqueue_indirect_dma source(%dma_start3A_25 : memref<64x64xf32, #tpu.memory_space<hbm>>) target(%dma_start3A_19 : memref<512x64xf32, #tpu.memory_space<vmem>>) offsets(%dma_start3A_22 : memref<512xi32, #tpu.memory_space<vmem>>) semaphore(%arg11 : memref<!tpu.dma_semaphore, #tpu.memory_space<semaphore_mem>>)
    %dma_start3A_26 = arith.constant 2 : i32
    %dma_start3A_27 = arith.constant 2 : i32
    %dma_start3A_28 = arith.constant 0 : i32
    %dma_start3A_29 = arith.constant 0 : i32
    %dma_start3A_30 = tpu.memref_slice %arg10[%dma_start3A_27, %dma_start3A_28, %dma_start3A_29] : memref<3x512x64xf32, #tpu.memory_space<vmem>> -> memref<1x512x64xf32, #tpu.memory_space<vmem>>
    %dma_start3A_31 = tpu.memref_squeeze %dma_start3A_30 : memref<1x512x64xf32, #tpu.memory_space<vmem>> -> memref<512x64xf32, #tpu.memory_space<vmem>>
    %dma_start3A_32 = arith.constant 0 : i32
    %dma_start3A_33 = tpu.memref_slice %arg9[%dma_start3A_26, %dma_start3A_32] : memref<3x512xi32, #tpu.memory_space<vmem>> -> memref<1x512xi32, #tpu.memory_space<vmem>>
    %dma_start3A_34 = tpu.memref_squeeze %dma_start3A_33 : memref<1x512xi32, #tpu.memory_space<vmem>> -> memref<512xi32, #tpu.memory_space<vmem>>
    %dma_start3A_35 = arith.constant 0 : i32
    %dma_start3A_36 = arith.constant 0 : i32
    %dma_start3A_37 = tpu.memref_slice %arg5[%dma_start3A_35, %dma_start3A_36] : memref<64x64xf32, #tpu.memory_space<hbm>> -> memref<64x64xf32, #tpu.memory_space<hbm>>
    tpu.enqueue_indirect_dma source(%dma_start3A_37 : memref<64x64xf32, #tpu.memory_space<hbm>>) target(%dma_start3A_31 : memref<512x64xf32, #tpu.memory_space<vmem>>) offsets(%dma_start3A_34 : memref<512xi32, #tpu.memory_space<vmem>>) semaphore(%arg11 : memref<!tpu.dma_semaphore, #tpu.memory_space<semaphore_mem>>)
    %dma_wait3A = arith.constant 0 : i32
    %dma_wait3A_38 = arith.constant 0 : i32
    %dma_wait3A_39 = arith.constant 0 : i32
    %dma_wait3A_40 = arith.constant 0 : i32
    %dma_wait3A_41 = tpu.memref_slice %arg10[%dma_wait3A_38, %dma_wait3A_39, %dma_wait3A_40] : memref<3x512x64xf32, #tpu.memory_space<vmem>> -> memref<1x512x64xf32, #tpu.memory_space<vmem>>
    %dma_wait3A_42 = tpu.memref_squeeze %dma_wait3A_41 : memref<1x512x64xf32, #tpu.memory_space<vmem>> -> memref<512x64xf32, #tpu.memory_space<vmem>>
    %dma_wait3A_43 = arith.constant 0 : i32
    %dma_wait3A_44 = tpu.memref_slice %arg9[%dma_wait3A, %dma_wait3A_43] : memref<3x512xi32, #tpu.memory_space<vmem>> -> memref<1x512xi32, #tpu.memory_space<vmem>>
    %dma_wait3A_45 = tpu.memref_squeeze %dma_wait3A_44 : memref<1x512xi32, #tpu.memory_space<vmem>> -> memref<512xi32, #tpu.memory_space<vmem>>
    %dma_wait3A_46 = arith.constant 0 : i32
    %dma_wait3A_47 = arith.constant 0 : i32
    %dma_wait3A_48 = tpu.memref_slice %arg3[%dma_wait3A_46, %dma_wait3A_47] : memref<64x64xf32, #tpu.memory_space<hbm>> -> memref<64x64xf32, #tpu.memory_space<hbm>>
    tpu.wait_indirect_dma semaphore(%arg11 : memref<!tpu.dma_semaphore, #tpu.memory_space<semaphore_mem>>) src(%dma_wait3A_48 : memref<64x64xf32, #tpu.memory_space<hbm>>) dst(%dma_wait3A_42 : memref<512x64xf32, #tpu.memory_space<vmem>>)
    %dma_start3A_49 = arith.constant 0 : i32
    %dma_start3A_50 = arith.constant 0 : i32
    %dma_start3A_51 = arith.constant 0 : i32
    %dma_start3A_52 = tpu.memref_slice %arg10[%dma_start3A_49, %dma_start3A_50, %dma_start3A_51] : memref<3x512x64xf32, #tpu.memory_space<vmem>> -> memref<1x512x64xf32, #tpu.memory_space<vmem>>
    %dma_start3A_53 = tpu.memref_squeeze %dma_start3A_52 : memref<1x512x64xf32, #tpu.memory_space<vmem>> -> memref<512x64xf32, #tpu.memory_space<vmem>>
    %dma_start3A_54 = arith.constant 0 : i32
    %dma_start3A_55 = tpu.memref_slice %arg6[%mul3A_2, %dma_start3A_54] : memref<16384x64xf32, #tpu.memory_space<hbm>> -> memref<512x64xf32, #tpu.memory_space<hbm>>
    %dma_start3A_56 = arith.constant 0 : i32
    %dma_start3A_57 = tpu.memref_slice %arg6[%mul3A_2, %dma_start3A_56] : memref<16384x64xf32, #tpu.memory_space<hbm>> -> memref<512x64xf32, #tpu.memory_space<hbm>>
    %dma_start3A_58 = arith.constant 0 : i32
    %dma_start3A_59 = arith.constant 0 : i32
    %dma_start3A_60 = tpu.memref_slice %arg10[%dma_start3A_49, %dma_start3A_58, %dma_start3A_59] : memref<3x512x64xf32, #tpu.memory_space<vmem>> -> memref<1x512x64xf32, #tpu.memory_space<vmem>>
    %dma_start3A_61 = tpu.memref_squeeze %dma_start3A_60 : memref<1x512x64xf32, #tpu.memory_space<vmem>> -> memref<512x64xf32, #tpu.memory_space<vmem>>
    tpu.enqueue_dma source(%dma_start3A_61 : memref<512x64xf32, #tpu.memory_space<vmem>>) target(%dma_start3A_57 : memref<512x64xf32, #tpu.memory_space<hbm>>) target_semaphore(%arg12 : memref<!tpu.dma_semaphore, #tpu.memory_space<semaphore_mem>>)
    %dma_wait3A_62 = arith.constant 1 : i32
    %dma_wait3A_63 = arith.constant 1 : i32
    %dma_wait3A_64 = arith.constant 0 : i32
    %dma_wait3A_65 = arith.constant 0 : i32
    %dma_wait3A_66 = tpu.memref_slice %arg10[%dma_wait3A_63, %dma_wait3A_64, %dma_wait3A_65] : memref<3x512x64xf32, #tpu.memory_space<vmem>> -> memref<1x512x64xf32, #tpu.memory_space<vmem>>
    %dma_wait3A_67 = tpu.memref_squeeze %dma_wait3A_66 : memref<1x512x64xf32, #tpu.memory_space<vmem>> -> memref<512x64xf32, #tpu.memory_space<vmem>>
    %dma_wait3A_68 = arith.constant 0 : i32
    %dma_wait3A_69 = tpu.memref_slice %arg9[%dma_wait3A_62, %dma_wait3A_68] : memref<3x512xi32, #tpu.memory_space<vmem>> -> memref<1x512xi32, #tpu.memory_space<vmem>>
    %dma_wait3A_70 = tpu.memref_squeeze %dma_wait3A_69 : memref<1x512xi32, #tpu.memory_space<vmem>> -> memref<512xi32, #tpu.memory_space<vmem>>
    %dma_wait3A_71 = arith.constant 0 : i32
    %dma_wait3A_72 = arith.constant 0 : i32
    %dma_wait3A_73 = tpu.memref_slice %arg4[%dma_wait3A_71, %dma_wait3A_72] : memref<64x64xf32, #tpu.memory_space<hbm>> -> memref<64x64xf32, #tpu.memory_space<hbm>>
    tpu.wait_indirect_dma semaphore(%arg11 : memref<!tpu.dma_semaphore, #tpu.memory_space<semaphore_mem>>) src(%dma_wait3A_73 : memref<64x64xf32, #tpu.memory_space<hbm>>) dst(%dma_wait3A_67 : memref<512x64xf32, #tpu.memory_space<vmem>>)
    %dma_start3A_74 = arith.constant 1 : i32
    %dma_start3A_75 = arith.constant 0 : i32
    %dma_start3A_76 = arith.constant 0 : i32
    %dma_start3A_77 = tpu.memref_slice %arg10[%dma_start3A_74, %dma_start3A_75, %dma_start3A_76] : memref<3x512x64xf32, #tpu.memory_space<vmem>> -> memref<1x512x64xf32, #tpu.memory_space<vmem>>
    %dma_start3A_78 = tpu.memref_squeeze %dma_start3A_77 : memref<1x512x64xf32, #tpu.memory_space<vmem>> -> memref<512x64xf32, #tpu.memory_space<vmem>>
    %dma_start3A_79 = arith.constant 0 : i32
    %dma_start3A_80 = tpu.memref_slice %arg7[%mul3A_2, %dma_start3A_79] : memref<16384x64xf32, #tpu.memory_space<hbm>> -> memref<512x64xf32, #tpu.memory_space<hbm>>
    %dma_start3A_81 = arith.constant 0 : i32
    %dma_start3A_82 = tpu.memref_slice %arg7[%mul3A_2, %dma_start3A_81] : memref<16384x64xf32, #tpu.memory_space<hbm>> -> memref<512x64xf32, #tpu.memory_space<hbm>>
    %dma_start3A_83 = arith.constant 0 : i32
    %dma_start3A_84 = arith.constant 0 : i32
    %dma_start3A_85 = tpu.memref_slice %arg10[%dma_start3A_74, %dma_start3A_83, %dma_start3A_84] : memref<3x512x64xf32, #tpu.memory_space<vmem>> -> memref<1x512x64xf32, #tpu.memory_space<vmem>>
    %dma_start3A_86 = tpu.memref_squeeze %dma_start3A_85 : memref<1x512x64xf32, #tpu.memory_space<vmem>> -> memref<512x64xf32, #tpu.memory_space<vmem>>
    tpu.enqueue_dma source(%dma_start3A_86 : memref<512x64xf32, #tpu.memory_space<vmem>>) target(%dma_start3A_82 : memref<512x64xf32, #tpu.memory_space<hbm>>) target_semaphore(%arg12 : memref<!tpu.dma_semaphore, #tpu.memory_space<semaphore_mem>>)
    %dma_wait3A_87 = arith.constant 2 : i32
    %dma_wait3A_88 = arith.constant 2 : i32
    %dma_wait3A_89 = arith.constant 0 : i32
    %dma_wait3A_90 = arith.constant 0 : i32
    %dma_wait3A_91 = tpu.memref_slice %arg10[%dma_wait3A_88, %dma_wait3A_89, %dma_wait3A_90] : memref<3x512x64xf32, #tpu.memory_space<vmem>> -> memref<1x512x64xf32, #tpu.memory_space<vmem>>
    %dma_wait3A_92 = tpu.memref_squeeze %dma_wait3A_91 : memref<1x512x64xf32, #tpu.memory_space<vmem>> -> memref<512x64xf32, #tpu.memory_space<vmem>>
    %dma_wait3A_93 = arith.constant 0 : i32
    %dma_wait3A_94 = tpu.memref_slice %arg9[%dma_wait3A_87, %dma_wait3A_93] : memref<3x512xi32, #tpu.memory_space<vmem>> -> memref<1x512xi32, #tpu.memory_space<vmem>>
    %dma_wait3A_95 = tpu.memref_squeeze %dma_wait3A_94 : memref<1x512xi32, #tpu.memory_space<vmem>> -> memref<512xi32, #tpu.memory_space<vmem>>
    %dma_wait3A_96 = arith.constant 0 : i32
    %dma_wait3A_97 = arith.constant 0 : i32
    %dma_wait3A_98 = tpu.memref_slice %arg5[%dma_wait3A_96, %dma_wait3A_97] : memref<64x64xf32, #tpu.memory_space<hbm>> -> memref<64x64xf32, #tpu.memory_space<hbm>>
    tpu.wait_indirect_dma semaphore(%arg11 : memref<!tpu.dma_semaphore, #tpu.memory_space<semaphore_mem>>) src(%dma_wait3A_98 : memref<64x64xf32, #tpu.memory_space<hbm>>) dst(%dma_wait3A_92 : memref<512x64xf32, #tpu.memory_space<vmem>>)
    %dma_start3A_99 = arith.constant 2 : i32
    %dma_start3A_100 = arith.constant 0 : i32
    %dma_start3A_101 = arith.constant 0 : i32
    %dma_start3A_102 = tpu.memref_slice %arg10[%dma_start3A_99, %dma_start3A_100, %dma_start3A_101] : memref<3x512x64xf32, #tpu.memory_space<vmem>> -> memref<1x512x64xf32, #tpu.memory_space<vmem>>
    %dma_start3A_103 = tpu.memref_squeeze %dma_start3A_102 : memref<1x512x64xf32, #tpu.memory_space<vmem>> -> memref<512x64xf32, #tpu.memory_space<vmem>>
    %dma_start3A_104 = arith.constant 0 : i32
    %dma_start3A_105 = tpu.memref_slice %arg8[%mul3A_2, %dma_start3A_104] : memref<16384x64xf32, #tpu.memory_space<hbm>> -> memref<512x64xf32, #tpu.memory_space<hbm>>
    %dma_start3A_106 = arith.constant 0 : i32
    %dma_start3A_107 = tpu.memref_slice %arg8[%mul3A_2, %dma_start3A_106] : memref<16384x64xf32, #tpu.memory_space<hbm>> -> memref<512x64xf32, #tpu.memory_space<hbm>>
    %dma_start3A_108 = arith.constant 0 : i32
    %dma_start3A_109 = arith.constant 0 : i32
    %dma_start3A_110 = tpu.memref_slice %arg10[%dma_start3A_99, %dma_start3A_108, %dma_start3A_109] : memref<3x512x64xf32, #tpu.memory_space<vmem>> -> memref<1x512x64xf32, #tpu.memory_space<vmem>>
    %dma_start3A_111 = tpu.memref_squeeze %dma_start3A_110 : memref<1x512x64xf32, #tpu.memory_space<vmem>> -> memref<512x64xf32, #tpu.memory_space<vmem>>
    tpu.enqueue_dma source(%dma_start3A_111 : memref<512x64xf32, #tpu.memory_space<vmem>>) target(%dma_start3A_107 : memref<512x64xf32, #tpu.memory_space<hbm>>) target_semaphore(%arg12 : memref<!tpu.dma_semaphore, #tpu.memory_space<semaphore_mem>>)
    %dma_wait3A_112 = arith.constant 0 : i32
    %dma_wait3A_113 = arith.constant 0 : i32
    %dma_wait3A_114 = arith.constant 0 : i32
    %dma_wait3A_115 = tpu.memref_slice %arg10[%dma_wait3A_112, %dma_wait3A_113, %dma_wait3A_114] : memref<3x512x64xf32, #tpu.memory_space<vmem>> -> memref<1x512x64xf32, #tpu.memory_space<vmem>>
    %dma_wait3A_116 = tpu.memref_squeeze %dma_wait3A_115 : memref<1x512x64xf32, #tpu.memory_space<vmem>> -> memref<512x64xf32, #tpu.memory_space<vmem>>
    %dma_wait3A_117 = arith.constant 0 : i32
    %dma_wait3A_118 = tpu.memref_slice %arg6[%mul3A_2, %dma_wait3A_117] : memref<16384x64xf32, #tpu.memory_space<hbm>> -> memref<512x64xf32, #tpu.memory_space<hbm>>
    %dma_wait3A_119 = arith.constant 0 : i32
    %dma_wait3A_120 = tpu.memref_slice %arg6[%mul3A_2, %dma_wait3A_119] : memref<16384x64xf32, #tpu.memory_space<hbm>> -> memref<512x64xf32, #tpu.memory_space<hbm>>
    %dma_wait3A_121 = arith.constant 0 : i32
    %dma_wait3A_122 = arith.constant 0 : i32
    %dma_wait3A_123 = tpu.memref_slice %arg10[%dma_wait3A_112, %dma_wait3A_121, %dma_wait3A_122] : memref<3x512x64xf32, #tpu.memory_space<vmem>> -> memref<1x512x64xf32, #tpu.memory_space<vmem>>
    %dma_wait3A_124 = tpu.memref_squeeze %dma_wait3A_123 : memref<1x512x64xf32, #tpu.memory_space<vmem>> -> memref<512x64xf32, #tpu.memory_space<vmem>>
    tpu.wait_dma2 semaphore(%arg12 : memref<!tpu.dma_semaphore, #tpu.memory_space<semaphore_mem>>) src(%dma_wait3A_124 : memref<512x64xf32, #tpu.memory_space<vmem>>) dst(%dma_wait3A_120 : memref<512x64xf32, #tpu.memory_space<hbm>>)
    %dma_wait3A_125 = arith.constant 1 : i32
    %dma_wait3A_126 = arith.constant 0 : i32
    %dma_wait3A_127 = arith.constant 0 : i32
    %dma_wait3A_128 = tpu.memref_slice %arg10[%dma_wait3A_125, %dma_wait3A_126, %dma_wait3A_127] : memref<3x512x64xf32, #tpu.memory_space<vmem>> -> memref<1x512x64xf32, #tpu.memory_space<vmem>>
    %dma_wait3A_129 = tpu.memref_squeeze %dma_wait3A_128 : memref<1x512x64xf32, #tpu.memory_space<vmem>> -> memref<512x64xf32, #tpu.memory_space<vmem>>
    %dma_wait3A_130 = arith.constant 0 : i32
    %dma_wait3A_131 = tpu.memref_slice %arg7[%mul3A_2, %dma_wait3A_130] : memref<16384x64xf32, #tpu.memory_space<hbm>> -> memref<512x64xf32, #tpu.memory_space<hbm>>
    %dma_wait3A_132 = arith.constant 0 : i32
    %dma_wait3A_133 = tpu.memref_slice %arg7[%mul3A_2, %dma_wait3A_132] : memref<16384x64xf32, #tpu.memory_space<hbm>> -> memref<512x64xf32, #tpu.memory_space<hbm>>
    %dma_wait3A_134 = arith.constant 0 : i32
    %dma_wait3A_135 = arith.constant 0 : i32
    %dma_wait3A_136 = tpu.memref_slice %arg10[%dma_wait3A_125, %dma_wait3A_134, %dma_wait3A_135] : memref<3x512x64xf32, #tpu.memory_space<vmem>> -> memref<1x512x64xf32, #tpu.memory_space<vmem>>
    %dma_wait3A_137 = tpu.memref_squeeze %dma_wait3A_136 : memref<1x512x64xf32, #tpu.memory_space<vmem>> -> memref<512x64xf32, #tpu.memory_space<vmem>>
    tpu.wait_dma2 semaphore(%arg12 : memref<!tpu.dma_semaphore, #tpu.memory_space<semaphore_mem>>) src(%dma_wait3A_137 : memref<512x64xf32, #tpu.memory_space<vmem>>) dst(%dma_wait3A_133 : memref<512x64xf32, #tpu.memory_space<hbm>>)
    %dma_wait3A_138 = arith.constant 2 : i32
    %dma_wait3A_139 = arith.constant 0 : i32
    %dma_wait3A_140 = arith.constant 0 : i32
    %dma_wait3A_141 = tpu.memref_slice %arg10[%dma_wait3A_138, %dma_wait3A_139, %dma_wait3A_140] : memref<3x512x64xf32, #tpu.memory_space<vmem>> -> memref<1x512x64xf32, #tpu.memory_space<vmem>>
    %dma_wait3A_142 = tpu.memref_squeeze %dma_wait3A_141 : memref<1x512x64xf32, #tpu.memory_space<vmem>> -> memref<512x64xf32, #tpu.memory_space<vmem>>
    %dma_wait3A_143 = arith.constant 0 : i32
    %dma_wait3A_144 = tpu.memref_slice %arg8[%mul3A_2, %dma_wait3A_143] : memref<16384x64xf32, #tpu.memory_space<hbm>> -> memref<512x64xf32, #tpu.memory_space<hbm>>
    %dma_wait3A_145 = arith.constant 0 : i32
    %dma_wait3A_146 = tpu.memref_slice %arg8[%mul3A_2, %dma_wait3A_145] : memref<16384x64xf32, #tpu.memory_space<hbm>> -> memref<512x64xf32, #tpu.memory_space<hbm>>
    %dma_wait3A_147 = arith.constant 0 : i32
    %dma_wait3A_148 = arith.constant 0 : i32
    %dma_wait3A_149 = tpu.memref_slice %arg10[%dma_wait3A_138, %dma_wait3A_147, %dma_wait3A_148] : memref<3x512x64xf32, #tpu.memory_space<vmem>> -> memref<1x512x64xf32, #tpu.memory_space<vmem>>
    %dma_wait3A_150 = tpu.memref_squeeze %dma_wait3A_149 : memref<1x512x64xf32, #tpu.memory_space<vmem>> -> memref<512x64xf32, #tpu.memory_space<vmem>>
    tpu.wait_dma2 semaphore(%arg12 : memref<!tpu.dma_semaphore, #tpu.memory_space<semaphore_mem>>) src(%dma_wait3A_150 : memref<512x64xf32, #tpu.memory_space<vmem>>) dst(%dma_wait3A_146 : memref<512x64xf32, #tpu.memory_space<hbm>>)
    return
  }
}

</mosaic_0001>

<sc_bundles>
// kernel: kernel.3.cloned.1.call-start
scs
__scs_entry_jumppad:
0x0: {  	(pc) =	sbr.rel $0x88, $3  }
0x1: {  	(tag) =	ssettag $0x0;
	lr =	simm.s32 $0x1  }
0x2: {  	[smem:$0x3F9D] =	sst lr;
	_ =	strace $0xD0000000  }
0x3: {  	_ = 	snop  }
0x4: {  	_ = 	snop  }
0x5: {  	_ = 	snop  }
0x6: {  	_ = 	snop  }
0x7: {  	_ = 	snop  }
__scs_overlays_trampoline_lowered:
0x8: {  	[smem:$0x3FAC] =	sst s0  }
0x9: {  	[smem:$0x3FAD] =	sst s1  }
0xa: {  	[smem:$0x3FAE] =	sst s2  }
0xb: {  	[smem:$0x3FAF] =	sst s3  }
0xc: {  	[smem:$0x3FB0] =	sst s4  }
0xd: {  	[smem:$0x3FB1] =	sst s5  }
0xe: {  	[smem:$0x3FB2] =	sst s6  }
0xf: {  	[smem:$0x3FB3] =	sst s7  }
0x10: {  	[smem:$0x3FB4] =	sst s8  }
0x11: {  	[smem:$0x3FB5] =	sst s9;
	s0 =	simm.s32 @!p0 $0x0  }
0x12: {  	s1 =	sld [smem:$0x3F9B];
	s0 =	simm.s32 @p0 $0x1  }
0x13: {  	[smem:$0x3FB6] =	sst s0;
	s0 =	simm.s32 @!p1 $0x0  }
0x14: {  	s2 =	sld [smem:$0x3F9A];
	s0 =	simm.s32 @p1 $0x1  }
0x15: {  	[smem:$0x3FB7] =	sst s0;
	s0 =	simm.s32 @!p2 $0x0  }
0x16: {  	s3 =	sld [smem:$0x3FDB];
	s0 =	simm.s32 @p2 $0x1  }
0x17: {  	s4 =	simm.s32 $0x1BF5;
	[smem:$0x3FB9] =	sst s0  }
0x18: {  	s0 =	sld [smem:$0x3F9C];
	_ =	swait.ge [sflag:s4], $0x0  }
0x19: {  	s7 =	sld [smem:$0x3F9D]  }
0x1a: {  	s8 =	sadd.s32 $0xFFFFE003, lr  }
0x1b: {  	s9 =	sadd.s32 $0xFFFFFEF7, lr;
	s5 =	simm.s32 $0xFFFFFFFF;
	p2 =	slt.u32 s8, $0xFFFFF086  }
0x1c: {  	p1 =	slt.u32 s9, $0xF7A;
	s5 =	simm.s32 @!p2 $0x0  }
0x1d: {  	s5 =	simm.s32 @p1 $0x1;
	p0 =	seq.s32 s7, s2  }
0x1e: {  	s7 =	smul.u32 @!p0 $0xF7A, s2;
	p2 =	seq.s32 @!p0 s5, $0x0  }
0x1f: {  	s9 =	smul.u32 $0xF7A, s1;
	s8 =	simm.s32 @!p0 $0x1BF5;
	p2 =	por !p2, p0  }
0x20: {  	[sflag:s8] =	ssyncset.s32 @!p0 $0xFFFFF086;
	s6 =	sadd.s32 @!p0 s3, s7;
	s7 =	simm.s32 @!p0 $0x108  }
0x21: {  	s3 =	sadd.s32 s3, s9;
	s6 =	sadd.s32 @!p0 $0x88, s6;
	s7 =	simm.s32 @p2 $0x1082  }
0x22: {  	[simem:s7], [sflag:s8] =	dma.local @!p0 [hbm:s6], $0xF7A  }
0x23: {  	s9 =	sor.u32 $0xD0000000, s2;
	s6 =	simm.s32 $0x108;
	_ =	swait.ge @!p0 [sflag:s8], $0x0  }
0x24: {  	s3 =	sadd.s32 $0x88, s3;
	s6 =	simm.s32 @!p1 $0x1082;
	[sflag:s4] =	ssyncset.s32 $0xFFFFF086  }
0x25: {  	[simem:s6], [sflag:s4] =	dma.local [hbm:s3], $0xF7A  }
0x26: {  	[smem:$0x3F9D] =	sst s1;
	(tag) =	ssettag s2;
	_ =	strace s9  }
0x27: {  	s1 =	sld [smem:$0x3FAD]  }
0x28: {  	s2 =	sld [smem:$0x3FAE]  }
0x29: {  	s4 =	sld [smem:$0x3FB0]  }
0x2a: {  	p0 =	seq.s32 s5, $0x0;
	s5 =	sld [smem:$0x3FB1]  }
0x2b: {  	s6 =	sld [smem:$0x3FB2]  }
0x2c: {  	s7 =	sld [smem:$0x3FB3]  }
0x2d: {  	s3 =	simm.s32 $0x108;
	s8 =	sld [smem:$0x3FB4]  }
0x2e: {  	s3 =	simm.s32 @!p0 $0x1082;
	s9 =	sld [smem:$0x3FB5]  }
0x2f: {  	lr =	sadd.s32 s0, s3;
	s0 =	sld [smem:$0x3FAC]  }
0x30: {  	s3 =	sld [smem:$0x3FAF]  }
0x31: {  	[smem:$0x3FB8] =	sst s10  }
0x32: {  	s10 =	sld [smem:$0x3FB6];
	_ =	sdelay $0x3  }
0x33: {  	p0 =	seq.s32 s10, $0x1;
	s10 =	sld [smem:$0x3FB8];
	_ =	sdelay $0x3  }
0x34: {  	[smem:$0x3FB8] =	sst s10  }
0x35: {  	s10 =	sld [smem:$0x3FB7];
	_ =	sdelay $0x3  }
0x36: {  	p1 =	seq.s32 s10, $0x1;
	s10 =	sld [smem:$0x3FB8];
	_ =	sdelay $0x3  }
0x37: {  	[smem:$0x3FB8] =	sst s10  }
0x38: {  	s10 =	sld [smem:$0x3FB9]  }
0x39: {  	_ = 	snop;
	(pc) =	sbr.ind lr, $3  }
0x3a: {  	_ = 	snop  }
0x3b: {  	_ = 	snop  }
0x3c: {  	p2 =	seq.s32 s10, $0x1;
	s10 =	sld [smem:$0x3FB8]  }
0x3d: {  	_ =	shalt  }
0x3e: {  	_ =	shalt  }
0x3f: {  	_ =	shalt  }
0x40: {  	_ =	shalt  }
0x41: {  	_ =	shalt  }
0x42: {  	_ =	shalt  }
0x43: {  	_ =	shalt  }
0x44: {  	_ =	shalt  }
0x45: {  	_ =	shalt  }
0x46: {  	_ =	shalt  }
0x47: {  	_ =	shalt  }
0x48: {  	_ =	shalt  }
0x49: {  	_ =	shalt  }
0x4a: {  	_ =	shalt  }
0x4b: {  	_ =	shalt  }
0x4c: {  	_ =	shalt  }
0x4d: {  	_ =	shalt  }
0x4e: {  	_ =	shalt  }
0x4f: {  	_ =	shalt  }
0x50: {  	_ =	shalt  }
0x51: {  	_ =	shalt  }
0x52: {  	_ =	shalt  }
0x53: {  	_ =	shalt  }
0x54: {  	_ =	shalt  }
0x55: {  	_ =	shalt  }
0x56: {  	_ =	shalt  }
0x57: {  	_ =	shalt  }
0x58: {  	_ =	shalt  }
0x59: {  	_ =	shalt  }
0x5a: {  	_ =	shalt  }
0x5b: {  	_ =	shalt  }
0x5c: {  	_ =	shalt  }
0x5d: {  	_ =	shalt  }
0x5e: {  	_ =	shalt  }
0x5f: {  	_ =	shalt  }
0x60: {  	_ =	shalt  }
0x61: {  	_ =	shalt  }
0x62: {  	_ =	shalt  }
0x63: {  	_ =	shalt  }
0x64: {  	_ =	shalt  }
0x65: {  	_ =	shalt  }
0x66: {  	_ =	shalt  }
0x67: {  	_ =	shalt  }
0x68: {  	_ =	shalt  }
0x69: {  	_ =	shalt  }
0x6a: {  	_ =	shalt  }
0x6b: {  	_ =	shalt  }
0x6c: {  	_ =	shalt  }
0x6d: {  	_ =	shalt  }
0x6e: {  	_ =	shalt  }
0x6f: {  	_ =	shalt  }
0x70: {  	_ =	shalt  }
0x71: {  	_ =	shalt  }
0x72: {  	_ =	shalt  }
0x73: {  	_ =	shalt  }
0x74: {  	_ =	shalt  }
0x75: {  	_ =	shalt  }
0x76: {  	_ =	shalt  }
0x77: {  	_ =	shalt  }
0x78: {  	_ =	shalt  }
0x79: {  	_ =	shalt  }
0x7a: {  	_ =	shalt  }
0x7b: {  	_ =	shalt  }
0x7c: {  	_ =	shalt  }
0x7d: {  	_ =	shalt  }
0x7e: {  	_ =	shalt  }
0x7f: {  	_ =	shalt  }
0x80: {  	_ =	shalt  }
0x81: {  	_ =	shalt  }
0x82: {  	_ =	shalt  }
0x83: {  	_ =	shalt  }
0x84: {  	_ =	shalt  }
0x85: {  	_ =	shalt  }
0x86: {  	_ =	shalt  }
0x87: {  	_ =	shalt  }
.Lfunc_end0:
.L_simem_size_0:
called_computation_lowered:
.L_overlay_start_0:
0x88: {  	s2 =	sld [smem:$0x3FD9]  }
0x89: {  	s3 =	sld [smem:$0x3FFE];
	_ =	sdelay $0x1  }
0x8a: {  	s1 =	srdreg.scid  }
0x8b: {  	s0 =	sand.u32 $0x1, s1  }
0x8c: {  	s14 =	sshll.u32 s0, $0xA;
	s2 =	sadd.s32 s3, s2  }
0x8d: {  	s2 =	sadd.s32 s2, s14  }
0x8e: {  	[smem:$0x3FC4] =	sst s2  }
0x8f: {  	_ = 	snop  }
0x90: {  	s2 =	sld [smem:$0x3FD0];
	_ =	sdelay $0x2  }
0x91: {  	s15 =	simm.s32 $0xA;
	s4 =	simm.s32 $0x10  }
0x92: {  	[smem:s4], [sflag:s15] =	dma.local [hbm:s2], $0x1  }
0x93: {  	_ =	swait.eq [sflag:s15], $0x1  }
0x94: {  	s16 =	sld [smem:$0x10];
	[sflag:s15] =	ssyncset.done $0x0  }
0x95: {  	s17 =	sld [smem:$0x11];
	[sflag:s15] =	ssyncadd.s32 $0xFFFFFFFF  }
0x96: {  	s18 =	sld [smem:$0x12];
	(tm) =	ssettm $0x1  }
0x97: {  	s5 =	sld [smem:$0x3FFB];
	_ =	sdelay $0x3  }
0x98: {  	_ =	strace s5  }
0x99: {  	s5 =	sld [smem:$0x3FFC];
	_ =	sdelay $0x3  }
0x9a: {  	_ =	strace s5  }
0x9b: {  	s5 =	sld [smem:$0x3FFD];
	_ =	sdelay $0x3  }
0x9c: {  	_ =	strace s5  }
0x9d: {  	_ =	strace $0x8FFFFFFF  }
0x9e: {  	s19 =	sld [smem:$0x3FDB];
	_ =	sdelay $0x1  }
0x9f: {  	s6 =	simm.s32 $_scs_section_size  }
0xa0: {  	s7 =	simm.s32 $_size__tile_overlayer_lowered;
	s8 =	simm.s32 $_tile_overlayer_lowered  }
0xa1: {  	s22 =	simm.s32 $0x1BFF;
	s21 =	sshll.u32 s8, $0x1;
	s5 =	sadd.s32 s6, s19  }
0xa2: {  	s9 =	simm.s32 $0x0;
	s20 =	sshll.u32 s7, $0x1;
	s7 =	sadd.s32 s21, s5  }
0xa3: {  	[timem:s9], [sflag:s22] =	dma.local [hbm:s7], s20  }
0xa4: {  	_ =	swait.ge [sflag:s22], s20  }
0xa5: {  	s6 =	ssub.s32 $0x0, s20;
	[sflag:s22] =	ssyncset.done $0x0  }
0xa6: {  	[sflag:s22] =	ssyncadd.s32 s6;
	_ =	sdelay $0x1  }
0xa7: {  	s23 =	simm.s32 $0x1B8B  }
0xa8: {  	_ =	swait.ge [sflag:s23], $0x1  }
0xa9: {  	[sflag:s23] =	ssyncset.done $0x0  }
0xaa: {  	s25 =	simm.s32 $0x1B8E;
	s24 =	sld [smem:$0x3FFE];
	[sflag:s23] =	ssyncadd.s32 $0xFFFFFFFF  }
0xab: {  	s26 =	simm.s32 $execute0_lowered;
	[smem:$0x3FD2] =	sst s25  }
0xac: {  	s7 =	sshll.u32 s26, $0x1;
	_ =	strace $0x80000046;
	[dreg:$0x1] =	wrdreg $0xFFFFFFFF  }
0xad: {  	s28 =	simm.s32 $_size_execute0_lowered;
	s5 =	sadd.s32 s5, s7;
	[dreg:$0x0] =	wrdreg $0x0  }
0xae: {  	s7 =	sshll.u32 s28, $0x1;
	[dreg:$0x2] =	wrdreg s5  }
0xaf: {  	[dreg:$0x3] =	wrdreg s7  }
0xb0: {  	[dreg:$0x4] =	wrdreg $0xC0  }
0xb1: {  	_ =	task [dreg:s9], $0x5FFFF  }
0xb2: {  	[dreg:$0x1] =	wrdreg $0xFFFFFFFF  }
0xb3: {  	[dreg:$0x0] =	wrdreg $0x60  }
0xb4: {  	[dreg:$0x2] =	wrdreg s16  }
0xb5: {  	[dreg:$0x3] =	wrdreg s24  }
0xb6: {  	[dreg:$0x4] =	wrdreg s18  }
0xb7: {  	[dreg:$0x5] =	wrdreg s17  }
0xb8: {  	[dreg:$0x6] =	wrdreg $0x9  }
0xb9: {  	_ =	task.clear_ibuf [dreg:s9], $0x7FFFF;
	_ =	strace $0x90000046  }
0xba: {  	s29 =	simm.s32 $0x9;
	_ =	strace $0x80000048  }
0xbb: {  	_ =	swait.ge [sflag:s29], $0x1  }
0xbc: {  	[sflag:s29] =	ssyncadd.s32 $0xFFFFFFFF  }
0xbd: {  	_ =	strace $0x90000048  }
0xbe: {  	_ =	sfence  }
0xbf: {  	s30 =	sld [smem:$0x0];
	_ =	sdelay $0x2  }
0xc0: {  	s31 =	sshll.u32 s1, $0xD;
	s1 =	sshrl.u32 s1, $0x2  }
0xc1: {  	s3 =	sand.u32 $0x4000, s31;
	s1 =	sadd.s32 s1, s30  }
0xc2: {  	s0 =	sor.u32 s3, s0;
	s1 =	sshll.u32 s1, $0x11  }
0xc3: {  	s0 =	sor.u32 s1, s0  }
0xc4: {  	s0 =	sadd.s32 $0x8F2B, s0  }
0xc5: {  	[sflag:s0] =	ssyncadd.remote.s32 $0x1  }
0xc6: {  	_ =	sfence.sel $0xFFFF  }
0xc7: {  	[dreg:$0x0] =	wrdreg $0xFFFFFFFF;
	(pc) =	sbr.abs _section_cstart, $3  }
0xc8: {  	[dreg:$0x1] =	wrdreg $0xFFFFFFFF  }
0xc9: {  	_ =	task.clear_ibuf [dreg:s9], $0x2FFFF;
	_ =	strace $0x9FFFFFFF  }
0xca: {  	(tm) =	ssettm $0x7FFFFFFF  }
0xcb: {  	_ =	shalt  }
tec
execute0_lowered:
.L_overlay_start_1:
0x0: {  	(tag) =	ssettag $0x1  }
0x1: {  	s3 =	rddreg [dreg:$0x0]  }
0x2: {  	s16 =	rddreg [dreg:$0x1]  }
0x3: {  	s1 =	srdreg.scid;
	s0 =	stileid.u32  }
0x4: {  	s14 =	rddreg [dreg:$0x2];
	s18 =	sand.u32 $0x1, s1;
	s31 =	sshll.u32 s0, $0x1  }
0x5: {  	s15 =	rddreg [dreg:$0x3];
	s17 =	sor.u32 s18, s31  }
0x6: {  	s2 =	simm.s32 $0x0;
	s1 =	rddreg [dreg:$0x4];
	s4 =	smul.u32 $0xC0, s17  }
0x7: {  	[smem:$0x7FF] =	sst s2  }
0x8: {  	_ =	strace $0x80000047;
	s3 =	sadd.s32 s3, s4;
	s4 =	simm.s32 $0x3  }
0x9: {  	[tilespmem:s2], [sflag:$0x3] =	stream.linear.gather [hbm4b:s3+s2], $0x600, $0x38;
	[tilespmem:$0x18600] =	vst v63  }
0xa: {  	_ =	swait.ge [sflag:s4], $0x600  }
0xb: {  	s6 =	simm.s32 $0x200;
	[sflag:s4] =	ssyncset.done $0x0  }
0xc: {  	s7 =	simm.s32 $0x600;
	s5 =	sadd.s32 $0xC00, s16;
	[sflag:s4] =	ssyncadd.s32 $0xFFFFFA00  }
0xd: {  	[tilespmem:s7], [sflag:$0x1] =	stream.indirect.gather [hbm4b:s5+s6], $0x40, s2, s6, $0xb8;
	[tilespmem:$0x18600] =	vst v63  }
0xe: {  	s10 =	simm.s32 $0x8600;
	s11 =	simm.s32 $0x400;
	s8 =	sadd.s32 $0xE00, s16  }
0xf: {  	[tilespmem:s10], [sflag:$0x1] =	stream.indirect.gather [hbm4b:s8+s6], $0x40, s6, s6, $0xb8;
	[tilespmem:$0x18600] =	vst v63  }
0x10: {  	s12 =	simm.s32 $0x10600;
	s13 =	simm.s32 $0x1;
	s9 =	sadd.s32 $0x1000, s16  }
0x11: {  	[tilespmem:s12], [sflag:$0x1] =	stream.indirect.gather [hbm4b:s9+s6], $0x40, s11, s6, $0xb8;
	[tilespmem:$0x18600] =	vst v63  }
0x12: {  	_ =	swait.ge [sflag:s13], $0x8000  }
0x13: {  	s17 =	sshll.u32 s17, $0xC;
	[sflag:s13] =	ssyncset.done $0x0  }
0x14: {  	s14 =	sadd.s32 s14, s17;
	[sflag:s13] =	ssyncadd.s32 $0xFFFF8000  }
0x15: {  	[hbm4b:s14+s2] =	stream.linear.scatter [tilespmem:s7], [sflag:$0x2], $0x8000, $0x38;
	[tilespmem:$0x18600] =	vst v63  }
0x16: {  	_ =	swait.ge [sflag:s13], $0x8000  }
0x17: {  	[sflag:s13] =	ssyncset.done $0x0  }
0x18: {  	s15 =	sadd.s32 s15, s17;
	[sflag:s13] =	ssyncadd.s32 $0xFFFF8000  }
0x19: {  	[hbm4b:s15+s2] =	stream.linear.scatter [tilespmem:s10], [sflag:$0x2], $0x8000, $0x38;
	[tilespmem:$0x18600] =	vst v63  }
0x1a: {  	s18 =	ssub.s32 $0x2, s18;
	_ =	swait.ge [sflag:s13], $0x8000  }
0x1b: {  	s19 =	sshrl.u32 s18, $0x1;
	s16 =	sadd.s32 s17, s16;
	[sflag:s13] =	ssyncset.done $0x0  }
0x1c: {  	s17 =	sadd.s32 $0x1200, s16;
	s16 =	simm.s32 $0x2;
	[sflag:s13] =	ssyncadd.s32 $0xFFFF8000  }
0x1d: {  	[hbm4b:s17+s2] =	stream.linear.scatter [tilespmem:s12], [sflag:$0x2], $0x8000, $0x38;
	[tilespmem:$0x18600] =	vst v63  }
0x1e: {  	s18 =	ssub.s32 s18, s19;
	_ =	swait.ge [sflag:s16], $0x8000  }
0x1f: {  	s18 =	smax.u32 s18, $0x1;
	[sflag:s16] =	ssyncset.done $0x0  }
0x20: {  	p0 =	sne.s32 s18, $0x1;
	[sflag:s16] =	ssyncadd.s32 $0xFFFF8000  }
.Ltmp0:
0x21: {  	_ =	swait.ge [sflag:s16], $0x8000;
	(pc) =	sbr.rel @!p0 .LBB2_2-.Ltmp0, $4  }
0x22: {  	[sflag:s16] =	ssyncset.done $0x0  }
0x23: {  	[sflag:s16] =	ssyncadd.s32 $0xFFFF8000  }
0x24: {  	_ =	swait.ge [sflag:s16], $0x8000  }
0x25: {  	s18 =	sadd.s32 $0xFFFFFFFF, s18;
	[sflag:s16] =	ssyncset.done $0x0  }
.LBB2_1:
0x26: {  	p0 =	sne.s32 s18, $0x1;
	s18 =	sadd.s32 $0xFFFFFFFF, s18;
	[sflag:s16] =	ssyncadd.s32 $0xFFFF8000  }
0x27: {  	[tilespmem:s2], [sflag:$0x3] =	stream.linear.gather [hbm4b:s3+s2], $0x600, $0x38;
	[tilespmem:$0x18600] =	vst v63  }
0x28: {  	_ =	swait.ge [sflag:s4], $0x600  }
0x29: {  	[sflag:s4] =	ssyncset.done $0x0  }
0x2a: {  	[sflag:s4] =	ssyncadd.s32 $0xFFFFFA00  }
0x2b: {  	[tilespmem:s7], [sflag:$0x1] =	stream.indirect.gather [hbm4b:s5+s6], $0x40, s2, s6, $0xb8;
	[tilespmem:$0x18600] =	vst v63  }
0x2c: {  	_ = 	snop  }
0x2d: {  	[tilespmem:s10], [sflag:$0x1] =	stream.indirect.gather [hbm4b:s8+s6], $0x40, s6, s6, $0xb8;
	[tilespmem:$0x18600] =	vst v63  }
0x2e: {  	_ = 	snop  }
0x2f: {  	[tilespmem:s12], [sflag:$0x1] =	stream.indirect.gather [hbm4b:s9+s6], $0x40, s11, s6, $0xb8;
	[tilespmem:$0x18600] =	vst v63  }
0x30: {  	_ =	swait.ge [sflag:s13], $0x8000  }
0x31: {  	[sflag:s13] =	ssyncset.done $0x0  }
0x32: {  	[sflag:s13] =	ssyncadd.s32 $0xFFFF8000  }
0x33: {  	[hbm4b:s14+s2] =	stream.linear.scatter [tilespmem:s7], [sflag:$0x2], $0x8000, $0x38;
	[tilespmem:$0x18600] =	vst v63  }
0x34: {  	_ =	swait.ge [sflag:s13], $0x8000  }
0x35: {  	[sflag:s13] =	ssyncset.done $0x0  }
0x36: {  	[sflag:s13] =	ssyncadd.s32 $0xFFFF8000  }
0x37: {  	[hbm4b:s15+s2] =	stream.linear.scatter [tilespmem:s10], [sflag:$0x2], $0x8000, $0x38;
	[tilespmem:$0x18600] =	vst v63  }
0x38: {  	_ =	swait.ge [sflag:s13], $0x8000  }
0x39: {  	[sflag:s13] =	ssyncset.done $0x0  }
0x3a: {  	[sflag:s13] =	ssyncadd.s32 $0xFFFF8000  }
0x3b: {  	[hbm4b:s17+s2] =	stream.linear.scatter [tilespmem:s12], [sflag:$0x2], $0x8000, $0x38;
	[tilespmem:$0x18600] =	vst v63  }
0x3c: {  	_ =	swait.ge [sflag:s16], $0x8000  }
0x3d: {  	[sflag:s16] =	ssyncset.done $0x0  }
0x3e: {  	[sflag:s16] =	ssyncadd.s32 $0xFFFF8000  }
.Ltmp1:
0x3f: {  	_ =	swait.ge [sflag:s16], $0x8000;
	(pc) =	sbr.rel @p0 .LBB2_1-.Ltmp1, $4  }
0x40: {  	[sflag:s16] =	ssyncset.done $0x0  }
0x41: {  	[sflag:s16] =	ssyncadd.s32 $0xFFFF8000  }
0x42: {  	_ =	swait.ge [sflag:s16], $0x8000  }
0x43: {  	[sflag:s16] =	ssyncset.done $0x0  }
.LBB2_2:
0x44: {  	[sflag:s16] =	ssyncadd.s32 $0xFFFF8000  }
0x45: {  	_ =	sfence.sel $0x180000  }
0x46: {  	[bflag:$0x0] =	sbarrier.arrive $0xFFFF  }
0x47: {  	p0 =	sne.s32 s0, $0x0;
	_ =	strace $0x90000047  }
0x48: {  	s0 =	sadd.s32 @!p0 $0x100000, s1;
	[bflag:$0x2] =	sbarrier.arrive $0xFFFF  }
0x49: {  	[sflag:s0] =	ssyncadd.tile.s32 @!p0 $0x1;
	_ =	shalt  }
.Lfunc_end2:
_tile_overlayer_lowered:
.L_overlay_start_2:
0x4a: {  	(tag) =	ssettag $0x2  }
0x4b: {  	s0 =	rddreg [dreg:$0x0];
	s2 =	stileid.u32  }
0x4c: {  	s1 =	rddreg [dreg:$0x1];
	p0 =	sne.s32 s2, $0x0  }
0x4d: {  	s3 =	rddreg [dreg:$0x2];
	[bflag:$0x3] =	sbarrier.arrive $0xFFFF;
	s2 =	simm.s32 @!p0 $0x1C03  }
0x4e: {  	[timem:s3], [sflag:s2] =	dma.local @!p0 [hbm:s0], s1  }
0x4f: {  	s0 =	simm.s32 @!p0 $0x3  }
0x50: {  	_ =	swait.ge @!p0 [sflag:s0], s1  }
0x51: {  	s1 =	ssub.s32 @!p0 $0x0, s1;
	[sflag:s0] =	ssyncset.done @!p0 $0x0  }
0x52: {  	[sflag:s0] =	ssyncadd.s32 @!p0 s1  }
0x53: {  	[bflag:$0x3] =	sbarrier.arrive $0xFFFF  }
0x54: {  	_ =	shalt  }

</sc_bundles>
